<compile_context>
chip_gen: v7x
topology: tpu7x:2x2x1
jax: 0.10.2.dev20260603
libtpu: 0.0.44.dev20260713+nightly
codegen_flags: <defaults>
</compile_context>

<pallas_src>
import functools

import jax
import jax.numpy as jnp
from jax import lax
from jax.experimental import pallas as pl
from jax.experimental.pallas import tpu as pltpu
from jax.experimental.pallas import tpu_sc as plsc

N_BASES = 4
L = 1024
BI = 128
NW = 32
EW = L * N_BASES // NW
VL = 16


def _sc_gather(seq_hbm, tab_hbm, oht_hbm, seq_v, tab_v, ohtbuf_v, sem):
    wid = lax.axis_index("s") * 2 + lax.axis_index("c")
    c = wid % N_BASES
    base = (wid // N_BASES) * EW
    cp_seq = pltpu.async_copy(seq_hbm.at[pl.ds(base, EW)], seq_v, sem)
    cp_tab = pltpu.async_copy(tab_hbm, tab_v, sem)
    cp_seq.wait()
    cp_tab.wait()
    lanes = lax.iota(jnp.int32, VL)
    for g in range(EW // VL):
        seq16 = seq_v[pl.ds(g * VL, VL)]
        ohtbuf_v[pl.ds(g * VL, VL)] = plsc.load_gather(
            tab_v, [seq16, lanes * 0 + c])
    st = pltpu.async_copy(ohtbuf_v, oht_hbm.at[c, pl.ds(base, EW)], sem)
    st.wait()


def _tc_body(ohtb_ref, oht_ref, out_ref):
    ohtb = ohtb_ref[...]
    oht = oht_ref[...]
    for c in range(N_BASES):
        col = jnp.swapaxes(ohtb[c:c + 1, :], 0, 1)
        out_ref[c] = jnp.broadcast_to(col, (BI, L))
        out_ref[N_BASES + c] = jnp.broadcast_to(oht[c:c + 1, :], (BI, L))


def kernel(sequence, base_table):
    sc = functools.partial(
        pl.kernel,
        mesh=plsc.VectorSubcoreMesh(core_axis_name="c", subcore_axis_name="s"),
        compiler_params=pltpu.CompilerParams(needs_layout_passes=False),
        out_type=[jax.ShapeDtypeStruct((N_BASES, L), jnp.float32)],
        scratch_types=[
            pltpu.VMEM((EW,), jnp.int32),
            pltpu.VMEM((N_BASES, N_BASES), jnp.float32),
            pltpu.VMEM((EW,), jnp.float32),
            pltpu.SemaphoreType.DMA,
        ],
    )(_sc_gather)
    (oht,) = sc(sequence, base_table)

    out = pl.pallas_call(
        _tc_body,
        grid=(L // BI,),
        in_specs=[
            pl.BlockSpec((N_BASES, BI), lambda i: (0, i)),
            pl.BlockSpec((N_BASES, L), lambda i: (0, 0)),
        ],
        out_specs=pl.BlockSpec((2 * N_BASES, BI, L), lambda i: (0, i, 0)),
        out_shape=jax.ShapeDtypeStruct((2 * N_BASES, L, L), jnp.float32),
    )(oht, oht)
    return out[None]

# --- scband reference (transcript-rebuilt; emitter-appended) ---
"""Pipeline reference for scband-sequence-embedding-16647293239442 (READ-ONLY COPY).

The authoritative reference and input builder live on the scoring server;
editing this copy changes nothing except your own understanding.
"""

import jax, jax.numpy as jnp
import numpy as np

N_BASES = 4


def setup_inputs(seed: int = 0) -> dict:
    key = jax.random.key(seed)
    L = 1024
    # Original torch module takes a string of bases 'acgt'; we represent it as
    # integer base indices in [0, N_BASES).
    sequence = jax.random.randint(key, (L,), 0, N_BASES, dtype=jnp.int32)
    # BASE_DICT maps each base char to its one-hot vector -> identity table.
    base_table = jnp.eye(N_BASES, dtype=jnp.float32)
    return {"sequence": sequence, "base_table": base_table}


def reference(sequence, base_table):
    # one_hot = torch.stack([BASE_DICT[char] for char in sequence]) -> gather from table
    one_hot = jnp.take(base_table, sequence, axis=0)  # [L, N_BASES]
    L = one_hot.shape[0]
    oh_t = one_hot.T  # [N_BASES, L]
    # ret[:N_BASES, i, j] = one_hot[i]; ret[N_BASES:, i, j] = one_hot[j]
    part_i = jnp.broadcast_to(oh_t[:, :, None], (N_BASES, L, L))
    part_j = jnp.broadcast_to(oh_t[:, None, :], (N_BASES, L, L))
    ret = jnp.concatenate([part_i, part_j], axis=0)  # [2*N_BASES, L, L]
    return ret[None]  # [1, 2*N_BASES, L, L]

if __name__ == "__main__":
    import jax
    _d = setup_inputs()
    print(jax.jit(kernel)(*tuple(_d.values())))

</pallas_src>

<mosaic_0001>
#map = affine_map<(d0, d1) -> (0)>
#map1 = affine_map<(d0, d1) -> (0, 0)>
module attributes {stable_mosaic.version = 14 : i64} {
  func.func @_sc_gather(%arg0: i32, %arg1: i32, %arg2: memref<1024xi32, #tpu.memory_space<hbm>>, %arg3: memref<4x4xf32, #tpu.memory_space<hbm>>, %arg4: memref<4x1024xf32, #tpu.memory_space<hbm>>, %arg5: memref<128xi32, #tpu.memory_space<vmem>>, %arg6: memref<4x4xf32, #tpu.memory_space<vmem>>, %arg7: memref<128xf32, #tpu.memory_space<vmem>>, %arg8: memref<!tpu.dma_semaphore, #tpu.memory_space<semaphore_mem>>) attributes {dimension_semantics = [#tpu.dimension_semantics<core_parallel>, #tpu.dimension_semantics<subcore_parallel>], iteration_bounds = array<i64: 2, 16>, scalar_prefetch = 0 : i64, scratch_operands = 4 : i64, tpu.core_type = #tpu.core_type<sc_vector_subcore>, window_params = [{transform_indices = #map}, {transform_indices = #map1}, {transform_indices = #map1}]} {
    %mul3A = arith.constant 2 : i32
    %mul3A_0 = arith.muli %arg1, %mul3A : i32
    %add3A = arith.addi %mul3A_0, %arg0 : i32
    %jit3A = arith.constant 4 : i32
    %eq3A = arith.constant 0 : i32
    %eq3A_1 = arith.cmpi eq, %jit3A, %eq3A : i32
    %jit3A_2 = arith.constant 1 : i32
    %select_n3A = arith.select %eq3A_1, %jit3A_2, %jit3A : i32
    %rem3A = arith.remsi %add3A, %select_n3A : i32
    %ne3A = arith.constant 0 : i32
    %ne3A_3 = arith.cmpi ne, %rem3A, %ne3A : i32
    %lt3A = arith.constant 0 : i32
    %lt3A_4 = arith.cmpi slt, %rem3A, %lt3A : i32
    %lt3A_5 = arith.constant 0 : i32
    %lt3A_6 = arith.cmpi slt, %select_n3A, %lt3A_5 : i32
    %ne3A_7 = arith.xori %lt3A_4, %lt3A_6 : i1
    %and3A = arith.andi %ne3A_7, %ne3A_3 : i1
    %add3A_8 = arith.addi %rem3A, %select_n3A : i32
    %select_n3A_9 = arith.select %and3A, %add3A_8, %rem3A : i32
    %jit3A_10 = arith.constant 4 : i32
    %div3A = arith.divsi %add3A, %jit3A_10 : i32
    %sign3A = arith.constant 0 : i32
    %sign3A_11 = arith.cmpi sgt, %add3A, %sign3A : i32
    %sign3A_12 = arith.extui %sign3A_11 : i1 to i32
    %sign3A_13 = arith.constant 0 : i32
    %sign3A_14 = arith.cmpi slt, %add3A, %sign3A_13 : i32
    %sign3A_15 = arith.extui %sign3A_14 : i1 to i32
    %sign3A_16 = arith.subi %sign3A_12, %sign3A_15 : i32
    %sign3A_17 = arith.constant 0 : i32
    %sign3A_18 = arith.cmpi sgt, %jit3A_10, %sign3A_17 : i32
    %sign3A_19 = arith.extui %sign3A_18 : i1 to i32
    %sign3A_20 = arith.constant 0 : i32
    %sign3A_21 = arith.cmpi slt, %jit3A_10, %sign3A_20 : i32
    %sign3A_22 = arith.extui %sign3A_21 : i1 to i32
    %sign3A_23 = arith.subi %sign3A_19, %sign3A_22 : i32
    %ne3A_24 = arith.cmpi ne, %sign3A_16, %sign3A_23 : i32
    %rem3A_25 = arith.remsi %add3A, %jit3A_10 : i32
    %ne3A_26 = arith.constant 0 : i32
    %ne3A_27 = arith.cmpi ne, %rem3A_25, %ne3A_26 : i32
    %and3A_28 = arith.andi %ne3A_24, %ne3A_27 : i1
    %sub3A = arith.constant 1 : i32
    %sub3A_29 = arith.subi %div3A, %sub3A : i32
    %select_n3A_30 = arith.select %and3A_28, %sub3A_29, %div3A : i32
    %mul3A_31 = arith.constant 128 : i32
    %mul3A_32 = arith.muli %select_n3A_30, %mul3A_31 : i32
    %dma_start3A = tpu.memref_slice %arg2[%mul3A_32] : memref<1024xi32, #tpu.memory_space<hbm>> -> memref<128xi32, #tpu.memory_space<hbm>>
    %dma_start3A_33 = tpu.memref_slice %arg2[%mul3A_32] : memref<1024xi32, #tpu.memory_space<hbm>> -> memref<128xi32, #tpu.memory_space<hbm>>
    tpu.enqueue_dma source(%dma_start3A_33 : memref<128xi32, #tpu.memory_space<hbm>>) target(%arg5 : memref<128xi32, #tpu.memory_space<vmem>>) target_semaphore(%arg8 : memref<!tpu.dma_semaphore, #tpu.memory_space<semaphore_mem>>)
    tpu.enqueue_dma source(%arg3 : memref<4x4xf32, #tpu.memory_space<hbm>>) target(%arg6 : memref<4x4xf32, #tpu.memory_space<vmem>>) target_semaphore(%arg8 : memref<!tpu.dma_semaphore, #tpu.memory_space<semaphore_mem>>)
    %dma_wait3A = tpu.memref_slice %arg2[%mul3A_32] : memref<1024xi32, #tpu.memory_space<hbm>> -> memref<128xi32, #tpu.memory_space<hbm>>
    %dma_wait3A_34 = tpu.memref_slice %arg2[%mul3A_32] : memref<1024xi32, #tpu.memory_space<hbm>> -> memref<128xi32, #tpu.memory_space<hbm>>
    tpu.wait_dma2 semaphore(%arg8 : memref<!tpu.dma_semaphore, #tpu.memory_space<semaphore_mem>>) src(%dma_wait3A_34 : memref<128xi32, #tpu.memory_space<hbm>>) dst(%arg5 : memref<128xi32, #tpu.memory_space<vmem>>)
    tpu.wait_dma2 semaphore(%arg8 : memref<!tpu.dma_semaphore, #tpu.memory_space<semaphore_mem>>) src(%arg3 : memref<4x4xf32, #tpu.memory_space<hbm>>) dst(%arg6 : memref<4x4xf32, #tpu.memory_space<vmem>>)
    %iota3A = tpu.iota {dimensions = array<i32: 0>} : vector<16xi32>
    %get3A = arith.constant 0 : index
    %get3A_35 = tpu.vector_load %arg5[%get3A] {strides = array<i32>} : memref<128xi32, #tpu.memory_space<vmem>>, vector<16xi32>,
    %mul3A_36 = arith.constant 0 : i32
    %mul3A_37 = vector.broadcast %mul3A_36 : i32 to vector<16xi32>
    %mul3A_38 = arith.muli %iota3A, %mul3A_37 : vector<16xi32>
    %add3A_39 = vector.broadcast %select_n3A_9 : i32 to vector<16xi32>
    %add3A_40 = arith.addi %mul3A_38, %add3A_39 : vector<16xi32>
    %gather3A = tpu.vector_load_idx %arg6[%get3A_35, %add3A_40] : memref<4x4xf32, #tpu.memory_space<vmem>>[vector<16xi32>, vector<16xi32>], vector<16xf32>,
    %swap3A = arith.constant 0 : index
    %swap3A_41 = tpu.vector_load %arg7[%swap3A] {strides = array<i32>} : memref<128xf32, #tpu.memory_space<vmem>>, vector<16xf32>,
    tpu.vector_store %arg7[%swap3A], %gather3A {strides = array<i32>} : memref<128xf32, #tpu.memory_space<vmem>>, vector<16xf32>,
    %get3A_42 = arith.constant 16 : index
    %get3A_43 = tpu.vector_load %arg5[%get3A_42] {strides = array<i32>} : memref<128xi32, #tpu.memory_space<vmem>>, vector<16xi32>,
    %mul3A_44 = arith.constant 0 : i32
    %mul3A_45 = vector.broadcast %mul3A_44 : i32 to vector<16xi32>
    %mul3A_46 = arith.muli %iota3A, %mul3A_45 : vector<16xi32>
    %add3A_47 = vector.broadcast %select_n3A_9 : i32 to vector<16xi32>
    %add3A_48 = arith.addi %mul3A_46, %add3A_47 : vector<16xi32>
    %gather3A_49 = tpu.vector_load_idx %arg6[%get3A_43, %add3A_48] : memref<4x4xf32, #tpu.memory_space<vmem>>[vector<16xi32>, vector<16xi32>], vector<16xf32>,
    %swap3A_50 = arith.constant 16 : index
    %swap3A_51 = tpu.vector_load %arg7[%swap3A_50] {strides = array<i32>} : memref<128xf32, #tpu.memory_space<vmem>>, vector<16xf32>,
    tpu.vector_store %arg7[%swap3A_50], %gather3A_49 {strides = array<i32>} : memref<128xf32, #tpu.memory_space<vmem>>, vector<16xf32>,
    %get3A_52 = arith.constant 32 : index
    %get3A_53 = tpu.vector_load %arg5[%get3A_52] {strides = array<i32>} : memref<128xi32, #tpu.memory_space<vmem>>, vector<16xi32>,
    %mul3A_54 = arith.constant 0 : i32
    %mul3A_55 = vector.broadcast %mul3A_54 : i32 to vector<16xi32>
    %mul3A_56 = arith.muli %iota3A, %mul3A_55 : vector<16xi32>
    %add3A_57 = vector.broadcast %select_n3A_9 : i32 to vector<16xi32>
    %add3A_58 = arith.addi %mul3A_56, %add3A_57 : vector<16xi32>
    %gather3A_59 = tpu.vector_load_idx %arg6[%get3A_53, %add3A_58] : memref<4x4xf32, #tpu.memory_space<vmem>>[vector<16xi32>, vector<16xi32>], vector<16xf32>,
    %swap3A_60 = arith.constant 32 : index
    %swap3A_61 = tpu.vector_load %arg7[%swap3A_60] {strides = array<i32>} : memref<128xf32, #tpu.memory_space<vmem>>, vector<16xf32>,
    tpu.vector_store %arg7[%swap3A_60], %gather3A_59 {strides = array<i32>} : memref<128xf32, #tpu.memory_space<vmem>>, vector<16xf32>,
    %get3A_62 = arith.constant 48 : index
    %get3A_63 = tpu.vector_load %arg5[%get3A_62] {strides = array<i32>} : memref<128xi32, #tpu.memory_space<vmem>>, vector<16xi32>,
    %mul3A_64 = arith.constant 0 : i32
    %mul3A_65 = vector.broadcast %mul3A_64 : i32 to vector<16xi32>
    %mul3A_66 = arith.muli %iota3A, %mul3A_65 : vector<16xi32>
    %add3A_67 = vector.broadcast %select_n3A_9 : i32 to vector<16xi32>
    %add3A_68 = arith.addi %mul3A_66, %add3A_67 : vector<16xi32>
    %gather3A_69 = tpu.vector_load_idx %arg6[%get3A_63, %add3A_68] : memref<4x4xf32, #tpu.memory_space<vmem>>[vector<16xi32>, vector<16xi32>], vector<16xf32>,
    %swap3A_70 = arith.constant 48 : index
    %swap3A_71 = tpu.vector_load %arg7[%swap3A_70] {strides = array<i32>} : memref<128xf32, #tpu.memory_space<vmem>>, vector<16xf32>,
    tpu.vector_store %arg7[%swap3A_70], %gather3A_69 {strides = array<i32>} : memref<128xf32, #tpu.memory_space<vmem>>, vector<16xf32>,
    %get3A_72 = arith.constant 64 : index
    %get3A_73 = tpu.vector_load %arg5[%get3A_72] {strides = array<i32>} : memref<128xi32, #tpu.memory_space<vmem>>, vector<16xi32>,
    %mul3A_74 = arith.constant 0 : i32
    %mul3A_75 = vector.broadcast %mul3A_74 : i32 to vector<16xi32>
    %mul3A_76 = arith.muli %iota3A, %mul3A_75 : vector<16xi32>
    %add3A_77 = vector.broadcast %select_n3A_9 : i32 to vector<16xi32>
    %add3A_78 = arith.addi %mul3A_76, %add3A_77 : vector<16xi32>
    %gather3A_79 = tpu.vector_load_idx %arg6[%get3A_73, %add3A_78] : memref<4x4xf32, #tpu.memory_space<vmem>>[vector<16xi32>, vector<16xi32>], vector<16xf32>,
    %swap3A_80 = arith.constant 64 : index
    %swap3A_81 = tpu.vector_load %arg7[%swap3A_80] {strides = array<i32>} : memref<128xf32, #tpu.memory_space<vmem>>, vector<16xf32>,
    tpu.vector_store %arg7[%swap3A_80], %gather3A_79 {strides = array<i32>} : memref<128xf32, #tpu.memory_space<vmem>>, vector<16xf32>,
    %get3A_82 = arith.constant 80 : index
    %get3A_83 = tpu.vector_load %arg5[%get3A_82] {strides = array<i32>} : memref<128xi32, #tpu.memory_space<vmem>>, vector<16xi32>,
    %mul3A_84 = arith.constant 0 : i32
    %mul3A_85 = vector.broadcast %mul3A_84 : i32 to vector<16xi32>
    %mul3A_86 = arith.muli %iota3A, %mul3A_85 : vector<16xi32>
    %add3A_87 = vector.broadcast %select_n3A_9 : i32 to vector<16xi32>
    %add3A_88 = arith.addi %mul3A_86, %add3A_87 : vector<16xi32>
    %gather3A_89 = tpu.vector_load_idx %arg6[%get3A_83, %add3A_88] : memref<4x4xf32, #tpu.memory_space<vmem>>[vector<16xi32>, vector<16xi32>], vector<16xf32>,
    %swap3A_90 = arith.constant 80 : index
    %swap3A_91 = tpu.vector_load %arg7[%swap3A_90] {strides = array<i32>} : memref<128xf32, #tpu.memory_space<vmem>>, vector<16xf32>,
    tpu.vector_store %arg7[%swap3A_90], %gather3A_89 {strides = array<i32>} : memref<128xf32, #tpu.memory_space<vmem>>, vector<16xf32>,
    %get3A_92 = arith.constant 96 : index
    %get3A_93 = tpu.vector_load %arg5[%get3A_92] {strides = array<i32>} : memref<128xi32, #tpu.memory_space<vmem>>, vector<16xi32>,
    %mul3A_94 = arith.constant 0 : i32
    %mul3A_95 = vector.broadcast %mul3A_94 : i32 to vector<16xi32>
    %mul3A_96 = arith.muli %iota3A, %mul3A_95 : vector<16xi32>
    %add3A_97 = vector.broadcast %select_n3A_9 : i32 to vector<16xi32>
    %add3A_98 = arith.addi %mul3A_96, %add3A_97 : vector<16xi32>
    %gather3A_99 = tpu.vector_load_idx %arg6[%get3A_93, %add3A_98] : memref<4x4xf32, #tpu.memory_space<vmem>>[vector<16xi32>, vector<16xi32>], vector<16xf32>,
    %swap3A_100 = arith.constant 96 : index
    %swap3A_101 = tpu.vector_load %arg7[%swap3A_100] {strides = array<i32>} : memref<128xf32, #tpu.memory_space<vmem>>, vector<16xf32>,
    tpu.vector_store %arg7[%swap3A_100], %gather3A_99 {strides = array<i32>} : memref<128xf32, #tpu.memory_space<vmem>>, vector<16xf32>,
    %get3A_102 = arith.constant 112 : index
    %get3A_103 = tpu.vector_load %arg5[%get3A_102] {strides = array<i32>} : memref<128xi32, #tpu.memory_space<vmem>>, vector<16xi32>,
    %mul3A_104 = arith.constant 0 : i32
    %mul3A_105 = vector.broadcast %mul3A_104 : i32 to vector<16xi32>
    %mul3A_106 = arith.muli %iota3A, %mul3A_105 : vector<16xi32>
    %add3A_107 = vector.broadcast %select_n3A_9 : i32 to vector<16xi32>
    %add3A_108 = arith.addi %mul3A_106, %add3A_107 : vector<16xi32>
    %gather3A_109 = tpu.vector_load_idx %arg6[%get3A_103, %add3A_108] : memref<4x4xf32, #tpu.memory_space<vmem>>[vector<16xi32>, vector<16xi32>], vector<16xf32>,
    %swap3A_110 = arith.constant 112 : index
    %swap3A_111 = tpu.vector_load %arg7[%swap3A_110] {strides = array<i32>} : memref<128xf32, #tpu.memory_space<vmem>>, vector<16xf32>,
    tpu.vector_store %arg7[%swap3A_110], %gather3A_109 {strides = array<i32>} : memref<128xf32, #tpu.memory_space<vmem>>, vector<16xf32>,
    %dma_start3A_112 = tpu.memref_slice %arg4[%select_n3A_9, %mul3A_32] : memref<4x1024xf32, #tpu.memory_space<hbm>> -> memref<1x128xf32, #tpu.memory_space<hbm>>
    %dma_start3A_113 = tpu.memref_squeeze %dma_start3A_112 : memref<1x128xf32, #tpu.memory_space<hbm>> -> memref<128xf32, #tpu.memory_space<hbm>>
    %dma_start3A_114 = tpu.memref_slice %arg4[%select_n3A_9, %mul3A_32] : memref<4x1024xf32, #tpu.memory_space<hbm>> -> memref<1x128xf32, #tpu.memory_space<hbm>>
    %dma_start3A_115 = tpu.memref_squeeze %dma_start3A_114 : memref<1x128xf32, #tpu.memory_space<hbm>> -> memref<128xf32, #tpu.memory_space<hbm>>
    tpu.enqueue_dma source(%arg7 : memref<128xf32, #tpu.memory_space<vmem>>) target(%dma_start3A_115 : memref<128xf32, #tpu.memory_space<hbm>>) target_semaphore(%arg8 : memref<!tpu.dma_semaphore, #tpu.memory_space<semaphore_mem>>)
    %dma_wait3A_116 = tpu.memref_slice %arg4[%select_n3A_9, %mul3A_32] : memref<4x1024xf32, #tpu.memory_space<hbm>> -> memref<1x128xf32, #tpu.memory_space<hbm>>
    %dma_wait3A_117 = tpu.memref_squeeze %dma_wait3A_116 : memref<1x128xf32, #tpu.memory_space<hbm>> -> memref<128xf32, #tpu.memory_space<hbm>>
    %dma_wait3A_118 = tpu.memref_slice %arg4[%select_n3A_9, %mul3A_32] : memref<4x1024xf32, #tpu.memory_space<hbm>> -> memref<1x128xf32, #tpu.memory_space<hbm>>
    %dma_wait3A_119 = tpu.memref_squeeze %dma_wait3A_118 : memref<1x128xf32, #tpu.memory_space<hbm>> -> memref<128xf32, #tpu.memory_space<hbm>>
    tpu.wait_dma2 semaphore(%arg8 : memref<!tpu.dma_semaphore, #tpu.memory_space<semaphore_mem>>) src(%arg7 : memref<128xf32, #tpu.memory_space<vmem>>) dst(%dma_wait3A_119 : memref<128xf32, #tpu.memory_space<hbm>>)
    return
  }
}

module attributes {stable_mosaic.version = 14 : i64} {
  func.func @_tc_body(%arg0: i32, %arg1: memref<4x128xf32, #tpu.memory_space<vmem>>, %arg2: memref<4x1024xf32, #tpu.memory_space<vmem>>, %arg3: memref<8x128x1024xf32, #tpu.memory_space<vmem>>) attributes {dimension_semantics = [#tpu.dimension_semantics<arbitrary>], iteration_bounds = array<i64: 8>, scalar_prefetch = 0 : i64, scratch_operands = 0 : i64, tpu.core_type = #tpu.core_type<tc>, window_params = [{transform_indices = @transform_0, window_bounds = array<i64: 4, 128>}, {pipeline_mode = #tpu.pipeline_mode<synchronous>, transform_indices = @transform_1, window_bounds = array<i64: 4, 1024>}, {transform_indices = @transform_2, window_bounds = array<i64: 8, 128, 1024>}]} {
    %get3A = arith.constant 0 : index
    %get3A_0 = arith.constant 0 : index
    %get3A_1 = vector.load %arg1[%get3A, %get3A_0] : memref<4x128xf32, #tpu.memory_space<vmem>>, vector<4x128xf32>
    %get3A_2 = arith.constant 0 : index
    %get3A_3 = arith.constant 0 : index
    %get3A_4 = vector.load %arg2[%get3A_2, %get3A_3] : memref<4x1024xf32, #tpu.memory_space<vmem>>, vector<4x1024xf32>
    %slice3A = vector.extract_strided_slice %get3A_1 {offsets = [0, 0], sizes = [1, 128], strides = [1, 1]} : vector<4x128xf32> to vector<1x128xf32>
    %transpose3A = tpu.transpose %slice3A, [1, 0] : vector<1x128xf32> -> vector<128x1xf32>
    %broadcast_in_dim3A = vector.shape_cast %transpose3A : vector<128x1xf32> to vector<128x1xf32>
    %broadcast_in_dim3A_5 = vector.broadcast %broadcast_in_dim3A : vector<128x1xf32> to vector<128x1024xf32>
    %swap3A = arith.constant 0 : index
    %swap3A_6 = arith.constant 0 : index
    %swap3A_7 = arith.constant 0 : index
    %swap3A_8 = vector.load %arg3[%swap3A, %swap3A_6, %swap3A_7] : memref<8x128x1024xf32, #tpu.memory_space<vmem>>, vector<1x128x1024xf32>
    %swap3A_9 = vector.shape_cast %swap3A_8 : vector<1x128x1024xf32> to vector<128x1024xf32>
    %swap3A_10 = vector.shape_cast %broadcast_in_dim3A_5 : vector<128x1024xf32> to vector<1x128x1024xf32>
    tpu.vector_store %arg3[%swap3A, %swap3A_6, %swap3A_7], %swap3A_10 {strides = array<i32>} : memref<8x128x1024xf32, #tpu.memory_space<vmem>>, vector<1x128x1024xf32>,
    %slice3A_11 = vector.extract_strided_slice %get3A_4 {offsets = [0, 0], sizes = [1, 1024], strides = [1, 1]} : vector<4x1024xf32> to vector<1x1024xf32>
    %broadcast_in_dim3A_12 = vector.shape_cast %slice3A_11 : vector<1x1024xf32> to vector<1x1024xf32>
    %broadcast_in_dim3A_13 = vector.broadcast %broadcast_in_dim3A_12 : vector<1x1024xf32> to vector<128x1024xf32>
    %swap3A_14 = arith.constant 4 : index
    %swap3A_15 = arith.constant 0 : index
    %swap3A_16 = arith.constant 0 : index
    %swap3A_17 = vector.load %arg3[%swap3A_14, %swap3A_15, %swap3A_16] : memref<8x128x1024xf32, #tpu.memory_space<vmem>>, vector<1x128x1024xf32>
    %swap3A_18 = vector.shape_cast %swap3A_17 : vector<1x128x1024xf32> to vector<128x1024xf32>
    %swap3A_19 = vector.shape_cast %broadcast_in_dim3A_13 : vector<128x1024xf32> to vector<1x128x1024xf32>
    tpu.vector_store %arg3[%swap3A_14, %swap3A_15, %swap3A_16], %swap3A_19 {strides = array<i32>} : memref<8x128x1024xf32, #tpu.memory_space<vmem>>, vector<1x128x1024xf32>,
    %slice3A_20 = vector.extract_strided_slice %get3A_1 {offsets = [1, 0], sizes = [1, 128], strides = [1, 1]} : vector<4x128xf32> to vector<1x128xf32>
    %transpose3A_21 = tpu.transpose %slice3A_20, [1, 0] : vector<1x128xf32> -> vector<128x1xf32>
    %broadcast_in_dim3A_22 = vector.shape_cast %transpose3A_21 : vector<128x1xf32> to vector<128x1xf32>
    %broadcast_in_dim3A_23 = vector.broadcast %broadcast_in_dim3A_22 : vector<128x1xf32> to vector<128x1024xf32>
    %swap3A_24 = arith.constant 1 : index
    %swap3A_25 = arith.constant 0 : index
    %swap3A_26 = arith.constant 0 : index
    %swap3A_27 = vector.load %arg3[%swap3A_24, %swap3A_25, %swap3A_26] : memref<8x128x1024xf32, #tpu.memory_space<vmem>>, vector<1x128x1024xf32>
    %swap3A_28 = vector.shape_cast %swap3A_27 : vector<1x128x1024xf32> to vector<128x1024xf32>
    %swap3A_29 = vector.shape_cast %broadcast_in_dim3A_23 : vector<128x1024xf32> to vector<1x128x1024xf32>
    tpu.vector_store %arg3[%swap3A_24, %swap3A_25, %swap3A_26], %swap3A_29 {strides = array<i32>} : memref<8x128x1024xf32, #tpu.memory_space<vmem>>, vector<1x128x1024xf32>,
    %slice3A_30 = vector.extract_strided_slice %get3A_4 {offsets = [1, 0], sizes = [1, 1024], strides = [1, 1]} : vector<4x1024xf32> to vector<1x1024xf32>
    %broadcast_in_dim3A_31 = vector.shape_cast %slice3A_30 : vector<1x1024xf32> to vector<1x1024xf32>
    %broadcast_in_dim3A_32 = vector.broadcast %broadcast_in_dim3A_31 : vector<1x1024xf32> to vector<128x1024xf32>
    %swap3A_33 = arith.constant 5 : index
    %swap3A_34 = arith.constant 0 : index
    %swap3A_35 = arith.constant 0 : index
    %swap3A_36 = vector.load %arg3[%swap3A_33, %swap3A_34, %swap3A_35] : memref<8x128x1024xf32, #tpu.memory_space<vmem>>, vector<1x128x1024xf32>
    %swap3A_37 = vector.shape_cast %swap3A_36 : vector<1x128x1024xf32> to vector<128x1024xf32>
    %swap3A_38 = vector.shape_cast %broadcast_in_dim3A_32 : vector<128x1024xf32> to vector<1x128x1024xf32>
    tpu.vector_store %arg3[%swap3A_33, %swap3A_34, %swap3A_35], %swap3A_38 {strides = array<i32>} : memref<8x128x1024xf32, #tpu.memory_space<vmem>>, vector<1x128x1024xf32>,
    %slice3A_39 = vector.extract_strided_slice %get3A_1 {offsets = [2, 0], sizes = [1, 128], strides = [1, 1]} : vector<4x128xf32> to vector<1x128xf32>
    %transpose3A_40 = tpu.transpose %slice3A_39, [1, 0] : vector<1x128xf32> -> vector<128x1xf32>
    %broadcast_in_dim3A_41 = vector.shape_cast %transpose3A_40 : vector<128x1xf32> to vector<128x1xf32>
    %broadcast_in_dim3A_42 = vector.broadcast %broadcast_in_dim3A_41 : vector<128x1xf32> to vector<128x1024xf32>
    %swap3A_43 = arith.constant 2 : index
    %swap3A_44 = arith.constant 0 : index
    %swap3A_45 = arith.constant 0 : index
    %swap3A_46 = vector.load %arg3[%swap3A_43, %swap3A_44, %swap3A_45] : memref<8x128x1024xf32, #tpu.memory_space<vmem>>, vector<1x128x1024xf32>
    %swap3A_47 = vector.shape_cast %swap3A_46 : vector<1x128x1024xf32> to vector<128x1024xf32>
    %swap3A_48 = vector.shape_cast %broadcast_in_dim3A_42 : vector<128x1024xf32> to vector<1x128x1024xf32>
    tpu.vector_store %arg3[%swap3A_43, %swap3A_44, %swap3A_45], %swap3A_48 {strides = array<i32>} : memref<8x128x1024xf32, #tpu.memory_space<vmem>>, vector<1x128x1024xf32>,
    %slice3A_49 = vector.extract_strided_slice %get3A_4 {offsets = [2, 0], sizes = [1, 1024], strides = [1, 1]} : vector<4x1024xf32> to vector<1x1024xf32>
    %broadcast_in_dim3A_50 = vector.shape_cast %slice3A_49 : vector<1x1024xf32> to vector<1x1024xf32>
    %broadcast_in_dim3A_51 = vector.broadcast %broadcast_in_dim3A_50 : vector<1x1024xf32> to vector<128x1024xf32>
    %swap3A_52 = arith.constant 6 : index
    %swap3A_53 = arith.constant 0 : index
    %swap3A_54 = arith.constant 0 : index
    %swap3A_55 = vector.load %arg3[%swap3A_52, %swap3A_53, %swap3A_54] : memref<8x128x1024xf32, #tpu.memory_space<vmem>>, vector<1x128x1024xf32>
    %swap3A_56 = vector.shape_cast %swap3A_55 : vector<1x128x1024xf32> to vector<128x1024xf32>
    %swap3A_57 = vector.shape_cast %broadcast_in_dim3A_51 : vector<128x1024xf32> to vector<1x128x1024xf32>
    tpu.vector_store %arg3[%swap3A_52, %swap3A_53, %swap3A_54], %swap3A_57 {strides = array<i32>} : memref<8x128x1024xf32, #tpu.memory_space<vmem>>, vector<1x128x1024xf32>,
    %slice3A_58 = vector.extract_strided_slice %get3A_1 {offsets = [3, 0], sizes = [1, 128], strides = [1, 1]} : vector<4x128xf32> to vector<1x128xf32>
    %transpose3A_59 = tpu.transpose %slice3A_58, [1, 0] : vector<1x128xf32> -> vector<128x1xf32>
    %broadcast_in_dim3A_60 = vector.shape_cast %transpose3A_59 : vector<128x1xf32> to vector<128x1xf32>
    %broadcast_in_dim3A_61 = vector.broadcast %broadcast_in_dim3A_60 : vector<128x1xf32> to vector<128x1024xf32>
    %swap3A_62 = arith.constant 3 : index
    %swap3A_63 = arith.constant 0 : index
    %swap3A_64 = arith.constant 0 : index
    %swap3A_65 = vector.load %arg3[%swap3A_62, %swap3A_63, %swap3A_64] : memref<8x128x1024xf32, #tpu.memory_space<vmem>>, vector<1x128x1024xf32>
    %swap3A_66 = vector.shape_cast %swap3A_65 : vector<1x128x1024xf32> to vector<128x1024xf32>
    %swap3A_67 = vector.shape_cast %broadcast_in_dim3A_61 : vector<128x1024xf32> to vector<1x128x1024xf32>
    tpu.vector_store %arg3[%swap3A_62, %swap3A_63, %swap3A_64], %swap3A_67 {strides = array<i32>} : memref<8x128x1024xf32, #tpu.memory_space<vmem>>, vector<1x128x1024xf32>,
    %slice3A_68 = vector.extract_strided_slice %get3A_4 {offsets = [3, 0], sizes = [1, 1024], strides = [1, 1]} : vector<4x1024xf32> to vector<1x1024xf32>
    %broadcast_in_dim3A_69 = vector.shape_cast %slice3A_68 : vector<1x1024xf32> to vector<1x1024xf32>
    %broadcast_in_dim3A_70 = vector.broadcast %broadcast_in_dim3A_69 : vector<1x1024xf32> to vector<128x1024xf32>
    %swap3A_71 = arith.constant 7 : index
    %swap3A_72 = arith.constant 0 : index
    %swap3A_73 = arith.constant 0 : index
    %swap3A_74 = vector.load %arg3[%swap3A_71, %swap3A_72, %swap3A_73] : memref<8x128x1024xf32, #tpu.memory_space<vmem>>, vector<1x128x1024xf32>
    %swap3A_75 = vector.shape_cast %swap3A_74 : vector<1x128x1024xf32> to vector<128x1024xf32>
    %swap3A_76 = vector.shape_cast %broadcast_in_dim3A_70 : vector<128x1024xf32> to vector<1x128x1024xf32>
    tpu.vector_store %arg3[%swap3A_71, %swap3A_72, %swap3A_73], %swap3A_76 {strides = array<i32>} : memref<8x128x1024xf32, #tpu.memory_space<vmem>>, vector<1x128x1024xf32>,
    return
  }
  func.func @transform_0(%arg0: i32) -> (i32, i32) {
    %c0_i32 = arith.constant 0 : i32
    %c0_i32_0 = arith.constant 0 : i32
    return %c0_i32, %arg0 : i32, i32
  }
  func.func @transform_1(%arg0: i32) -> (i32, i32) {
    %c0_i32 = arith.constant 0 : i32
    %c0_i32_0 = arith.constant 0 : i32
    %c0_i32_1 = arith.constant 0 : i32
    return %c0_i32, %c0_i32_0 : i32, i32
  }
  func.func @transform_2(%arg0: i32) -> (i32, i32, i32) {
    %c0_i32 = arith.constant 0 : i32
    %c0_i32_0 = arith.constant 0 : i32
    %c0_i32_1 = arith.constant 0 : i32
    return %c0_i32, %arg0, %c0_i32_0 : i32, i32, i32
  }
}

</mosaic_0001>

<sc_bundles>
// kernel: kernel.4.cloned.1.call-start
scs
__scs_entry_jumppad:
0x0: {  	(pc) =	sbr.rel $0x88, $3  }
0x1: {  	(tag) =	ssettag $0x0;
	lr =	simm.s32 $0x1  }
0x2: {  	[smem:$0x3F9F] =	sst lr;
	_ =	strace $0xD0000000  }
0x3: {  	_ = 	snop  }
0x4: {  	_ = 	snop  }
0x5: {  	_ = 	snop  }
0x6: {  	_ = 	snop  }
0x7: {  	_ = 	snop  }
__scs_overlays_trampoline_lowered:
0x8: {  	[smem:$0x3FAE] =	sst s0  }
0x9: {  	[smem:$0x3FAF] =	sst s1  }
0xa: {  	[smem:$0x3FB0] =	sst s2  }
0xb: {  	[smem:$0x3FB1] =	sst s3  }
0xc: {  	[smem:$0x3FB2] =	sst s4  }
0xd: {  	[smem:$0x3FB3] =	sst s5  }
0xe: {  	[smem:$0x3FB4] =	sst s6  }
0xf: {  	[smem:$0x3FB5] =	sst s7  }
0x10: {  	[smem:$0x3FB6] =	sst s8  }
0x11: {  	[smem:$0x3FB7] =	sst s9;
	s0 =	simm.s32 @!p0 $0x0  }
0x12: {  	s1 =	sld [smem:$0x3F9D];
	s0 =	simm.s32 @p0 $0x1  }
0x13: {  	[smem:$0x3FB8] =	sst s0;
	s0 =	simm.s32 @!p1 $0x0  }
0x14: {  	s2 =	sld [smem:$0x3F9C];
	s0 =	simm.s32 @p1 $0x1  }
0x15: {  	[smem:$0x3FB9] =	sst s0;
	s0 =	simm.s32 @!p2 $0x0  }
0x16: {  	s3 =	sld [smem:$0x3FDB];
	s0 =	simm.s32 @p2 $0x1  }
0x17: {  	s4 =	simm.s32 $0x1BF5;
	[smem:$0x3FBB] =	sst s0  }
0x18: {  	s0 =	sld [smem:$0x3F9E];
	_ =	swait.ge [sflag:s4], $0x0  }
0x19: {  	s7 =	sld [smem:$0x3F9F]  }
0x1a: {  	s8 =	sadd.s32 $0xFFFFE003, lr  }
0x1b: {  	s9 =	sadd.s32 $0xFFFFFEF7, lr;
	s5 =	simm.s32 $0xFFFFFFFF;
	p2 =	slt.u32 s8, $0xFFFFF086  }
0x1c: {  	p1 =	slt.u32 s9, $0xF7A;
	s5 =	simm.s32 @!p2 $0x0  }
0x1d: {  	s5 =	simm.s32 @p1 $0x1;
	p0 =	seq.s32 s7, s2  }
0x1e: {  	s7 =	smul.u32 @!p0 $0xF7A, s2;
	p2 =	seq.s32 @!p0 s5, $0x0  }
0x1f: {  	s9 =	smul.u32 $0xF7A, s1;
	s8 =	simm.s32 @!p0 $0x1BF5;
	p2 =	por !p2, p0  }
0x20: {  	[sflag:s8] =	ssyncset.s32 @!p0 $0xFFFFF086;
	s6 =	sadd.s32 @!p0 s3, s7;
	s7 =	simm.s32 @!p0 $0x108  }
0x21: {  	s3 =	sadd.s32 s3, s9;
	s6 =	sadd.s32 @!p0 $0x88, s6;
	s7 =	simm.s32 @p2 $0x1082  }
0x22: {  	[simem:s7], [sflag:s8] =	dma.local @!p0 [hbm:s6], $0xF7A  }
0x23: {  	s9 =	sor.u32 $0xD0000000, s2;
	s6 =	simm.s32 $0x108;
	_ =	swait.ge @!p0 [sflag:s8], $0x0  }
0x24: {  	s3 =	sadd.s32 $0x88, s3;
	s6 =	simm.s32 @!p1 $0x1082;
	[sflag:s4] =	ssyncset.s32 $0xFFFFF086  }
0x25: {  	[simem:s6], [sflag:s4] =	dma.local [hbm:s3], $0xF7A  }
0x26: {  	[smem:$0x3F9F] =	sst s1;
	(tag) =	ssettag s2;
	_ =	strace s9  }
0x27: {  	s1 =	sld [smem:$0x3FAF]  }
0x28: {  	s2 =	sld [smem:$0x3FB0]  }
0x29: {  	s4 =	sld [smem:$0x3FB2]  }
0x2a: {  	p0 =	seq.s32 s5, $0x0;
	s5 =	sld [smem:$0x3FB3]  }
0x2b: {  	s6 =	sld [smem:$0x3FB4]  }
0x2c: {  	s7 =	sld [smem:$0x3FB5]  }
0x2d: {  	s3 =	simm.s32 $0x108;
	s8 =	sld [smem:$0x3FB6]  }
0x2e: {  	s3 =	simm.s32 @!p0 $0x1082;
	s9 =	sld [smem:$0x3FB7]  }
0x2f: {  	lr =	sadd.s32 s0, s3;
	s0 =	sld [smem:$0x3FAE]  }
0x30: {  	s3 =	sld [smem:$0x3FB1]  }
0x31: {  	[smem:$0x3FBA] =	sst s10  }
0x32: {  	s10 =	sld [smem:$0x3FB8];
	_ =	sdelay $0x3  }
0x33: {  	p0 =	seq.s32 s10, $0x1;
	s10 =	sld [smem:$0x3FBA];
	_ =	sdelay $0x3  }
0x34: {  	[smem:$0x3FBA] =	sst s10  }
0x35: {  	s10 =	sld [smem:$0x3FB9];
	_ =	sdelay $0x3  }
0x36: {  	p1 =	seq.s32 s10, $0x1;
	s10 =	sld [smem:$0x3FBA];
	_ =	sdelay $0x3  }
0x37: {  	[smem:$0x3FBA] =	sst s10  }
0x38: {  	s10 =	sld [smem:$0x3FBB]  }
0x39: {  	_ = 	snop;
	(pc) =	sbr.ind lr, $3  }
0x3a: {  	_ = 	snop  }
0x3b: {  	_ = 	snop  }
0x3c: {  	p2 =	seq.s32 s10, $0x1;
	s10 =	sld [smem:$0x3FBA]  }
0x3d: {  	_ =	shalt  }
0x3e: {  	_ =	shalt  }
0x3f: {  	_ =	shalt  }
0x40: {  	_ =	shalt  }
0x41: {  	_ =	shalt  }
0x42: {  	_ =	shalt  }
0x43: {  	_ =	shalt  }
0x44: {  	_ =	shalt  }
0x45: {  	_ =	shalt  }
0x46: {  	_ =	shalt  }
0x47: {  	_ =	shalt  }
0x48: {  	_ =	shalt  }
0x49: {  	_ =	shalt  }
0x4a: {  	_ =	shalt  }
0x4b: {  	_ =	shalt  }
0x4c: {  	_ =	shalt  }
0x4d: {  	_ =	shalt  }
0x4e: {  	_ =	shalt  }
0x4f: {  	_ =	shalt  }
0x50: {  	_ =	shalt  }
0x51: {  	_ =	shalt  }
0x52: {  	_ =	shalt  }
0x53: {  	_ =	shalt  }
0x54: {  	_ =	shalt  }
0x55: {  	_ =	shalt  }
0x56: {  	_ =	shalt  }
0x57: {  	_ =	shalt  }
0x58: {  	_ =	shalt  }
0x59: {  	_ =	shalt  }
0x5a: {  	_ =	shalt  }
0x5b: {  	_ =	shalt  }
0x5c: {  	_ =	shalt  }
0x5d: {  	_ =	shalt  }
0x5e: {  	_ =	shalt  }
0x5f: {  	_ =	shalt  }
0x60: {  	_ =	shalt  }
0x61: {  	_ =	shalt  }
0x62: {  	_ =	shalt  }
0x63: {  	_ =	shalt  }
0x64: {  	_ =	shalt  }
0x65: {  	_ =	shalt  }
0x66: {  	_ =	shalt  }
0x67: {  	_ =	shalt  }
0x68: {  	_ =	shalt  }
0x69: {  	_ =	shalt  }
0x6a: {  	_ =	shalt  }
0x6b: {  	_ =	shalt  }
0x6c: {  	_ =	shalt  }
0x6d: {  	_ =	shalt  }
0x6e: {  	_ =	shalt  }
0x6f: {  	_ =	shalt  }
0x70: {  	_ =	shalt  }
0x71: {  	_ =	shalt  }
0x72: {  	_ =	shalt  }
0x73: {  	_ =	shalt  }
0x74: {  	_ =	shalt  }
0x75: {  	_ =	shalt  }
0x76: {  	_ =	shalt  }
0x77: {  	_ =	shalt  }
0x78: {  	_ =	shalt  }
0x79: {  	_ =	shalt  }
0x7a: {  	_ =	shalt  }
0x7b: {  	_ =	shalt  }
0x7c: {  	_ =	shalt  }
0x7d: {  	_ =	shalt  }
0x7e: {  	_ =	shalt  }
0x7f: {  	_ =	shalt  }
0x80: {  	_ =	shalt  }
0x81: {  	_ =	shalt  }
0x82: {  	_ =	shalt  }
0x83: {  	_ =	shalt  }
0x84: {  	_ =	shalt  }
0x85: {  	_ =	shalt  }
0x86: {  	_ =	shalt  }
0x87: {  	_ =	shalt  }
.Lfunc_end0:
.L_simem_size_0:
called_computation_lowered:
.L_overlay_start_0:
0x88: {  	s2 =	sld [smem:$0x3FD9]  }
0x89: {  	s3 =	sld [smem:$0x3FFE];
	_ =	sdelay $0x1  }
0x8a: {  	s1 =	srdreg.scid  }
0x8b: {  	s0 =	sand.u32 $0x1, s1  }
0x8c: {  	s18 =	sshll.u32 s0, $0xA;
	s2 =	sadd.s32 s3, s2  }
0x8d: {  	s2 =	sadd.s32 s2, s18  }
0x8e: {  	[smem:$0x3FC6] =	sst s2  }
0x8f: {  	_ = 	snop  }
0x90: {  	s2 =	sld [smem:$0x3FC9]  }
0x91: {  	s19 =	sld [smem:$0x3FC8]  }
0x92: {  	s4 =	sld [smem:$0x3FD0];
	(tm) =	ssettm $0x1  }
0x93: {  	s5 =	sld [smem:$0x3FFB];
	_ =	sdelay $0x3  }
0x94: {  	_ =	strace s5  }
0x95: {  	s5 =	sld [smem:$0x3FFC];
	_ =	sdelay $0x3  }
0x96: {  	_ =	strace s5  }
0x97: {  	s5 =	sld [smem:$0x3FFD];
	_ =	sdelay $0x3  }
0x98: {  	_ =	strace s5  }
0x99: {  	_ =	strace $0x8FFFFFFF  }
0x9a: {  	s20 =	sld [smem:$0x3FDB];
	_ =	sdelay $0x1  }
0x9b: {  	s6 =	simm.s32 $_scs_section_size  }
0x9c: {  	s7 =	simm.s32 $_size__tile_overlayer_lowered;
	s8 =	simm.s32 $_tile_overlayer_lowered  }
0x9d: {  	s23 =	simm.s32 $0x1BFF;
	s22 =	sshll.u32 s8, $0x1;
	s5 =	sadd.s32 s6, s20  }
0x9e: {  	s9 =	simm.s32 $0x0;
	s21 =	sshll.u32 s7, $0x1;
	s7 =	sadd.s32 s22, s5  }
0x9f: {  	[timem:s9], [sflag:s23] =	dma.local [hbm:s7], s21  }
0xa0: {  	_ =	swait.ge [sflag:s23], s21  }
0xa1: {  	s6 =	ssub.s32 $0x0, s21;
	[sflag:s23] =	ssyncset.done $0x0  }
0xa2: {  	[sflag:s23] =	ssyncadd.s32 s6;
	_ =	sdelay $0x1  }
0xa3: {  	s24 =	simm.s32 $0x1B8B  }
0xa4: {  	_ =	swait.ge [sflag:s24], $0x1  }
0xa5: {  	[sflag:s24] =	ssyncset.done $0x0  }
0xa6: {  	s25 =	simm.s32 $0x1B8E;
	[sflag:s24] =	ssyncadd.s32 $0xFFFFFFFF  }
0xa7: {  	s26 =	simm.s32 $execute0_lowered;
	[smem:$0x3FD2] =	sst s25  }
0xa8: {  	s6 =	sshll.u32 s26, $0x1;
	_ =	strace $0x80000046;
	[dreg:$0x1] =	wrdreg $0xFFFFFFFF  }
0xa9: {  	s28 =	simm.s32 $_size_execute0_lowered;
	s5 =	sadd.s32 s5, s6;
	[dreg:$0x0] =	wrdreg $0x0  }
0xaa: {  	s6 =	sshll.u32 s28, $0x1;
	[dreg:$0x2] =	wrdreg s5  }
0xab: {  	[dreg:$0x3] =	wrdreg s6  }
0xac: {  	[dreg:$0x4] =	wrdreg $0xC0  }
0xad: {  	_ =	task [dreg:s9], $0x5FFFF  }
0xae: {  	[dreg:$0x1] =	wrdreg $0xFFFFFFFF  }
0xaf: {  	[dreg:$0x0] =	wrdreg $0x60  }
0xb0: {  	[dreg:$0x2] =	wrdreg s2  }
0xb1: {  	[dreg:$0x3] =	wrdreg s19  }
0xb2: {  	[dreg:$0x4] =	wrdreg s4  }
0xb3: {  	[dreg:$0x5] =	wrdreg $0x9  }
0xb4: {  	_ =	task.clear_ibuf [dreg:s9], $0x6FFFF;
	_ =	strace $0x90000046  }
0xb5: {  	s29 =	simm.s32 $0x9;
	_ =	strace $0x80000048  }
0xb6: {  	_ =	swait.ge [sflag:s29], $0x1  }
0xb7: {  	[sflag:s29] =	ssyncadd.s32 $0xFFFFFFFF  }
0xb8: {  	_ =	strace $0x90000048  }
0xb9: {  	_ =	sfence  }
0xba: {  	s30 =	sld [smem:$0x0];
	_ =	sdelay $0x2  }
0xbb: {  	s31 =	sshll.u32 s1, $0xD;
	s1 =	sshrl.u32 s1, $0x2  }
0xbc: {  	s3 =	sand.u32 $0x4000, s31;
	s1 =	sadd.s32 s1, s30  }
0xbd: {  	s0 =	sor.u32 s3, s0;
	s1 =	sshll.u32 s1, $0x11  }
0xbe: {  	s0 =	sor.u32 s1, s0  }
0xbf: {  	s0 =	sadd.s32 $0x8F2B, s0  }
0xc0: {  	[sflag:s0] =	ssyncadd.remote.s32 $0x1  }
0xc1: {  	_ =	sfence.sel $0xFFFF  }
0xc2: {  	[dreg:$0x0] =	wrdreg $0xFFFFFFFF;
	(pc) =	sbr.abs _section_cstart, $3  }
0xc3: {  	[dreg:$0x1] =	wrdreg $0xFFFFFFFF  }
0xc4: {  	_ =	task.clear_ibuf [dreg:s9], $0x2FFFF;
	_ =	strace $0x9FFFFFFF  }
0xc5: {  	(tm) =	ssettm $0x7FFFFFFF  }
tec
execute0_lowered:
.L_overlay_start_1:
0x0: {  	(tag) =	ssettag $0x1  }
0x1: {  	s4 =	rddreg [dreg:$0x0]  }
0x2: {  	s2 =	rddreg [dreg:$0x1];
	s1 =	stileid.u32  }
0x3: {  	s7 =	rddreg [dreg:$0x2];
	s3 =	simm.s32 $0x0;
	s8 =	sshrl.u32 s1, $0x1  }
0x4: {  	[smem:$0x7FF] =	sst s3;
	s5 =	sshll.u32 s8, $0x4  }
0x5: {  	s0 =	rddreg [dreg:$0x3];
	_ =	strace $0x80000047;
	s4 =	sadd.s32 s4, s5  }
0x6: {  	[tilespmem:s3], [sflag:$0x1] =	stream.linear.gather [hbm4b:s4+s3], $0x80, $0x38;
	[tilespmem:$0x300] =	vst v63  }
0x7: {  	s6 =	simm.s32 $0x80;
	s5 =	simm.s32 $0x1  }
0x8: {  	[tilespmem:s6], [sflag:$0x1] =	stream.linear.gather [hbm4b:s2+s3], $0x200, $0x38;
	[tilespmem:$0x300] =	vst v63  }
0x9: {  	_ =	swait.ge [sflag:s5], $0x80  }
0xa: {  	[sflag:s5] =	ssyncset.done $0x0  }
0xb: {  	[sflag:s5] =	ssyncadd.s32 $0xFFFFFF80  }
0xc: {  	_ =	swait.ge [sflag:s5], $0x200  }
0xd: {  	[sflag:s5] =	ssyncset.done $0x0  }
0xe: {  	[sflag:s5] =	ssyncadd.s32 $0xFFFFFE00  }
0xf: {  	v1 =	vld [tilespmem:$0x0];
	_ =	sdelay $0x1  }
0x10: {  	s9 =	srdreg.scid;
	s10 =	sshll.u32 s1, $0x1  }
0x11: {  	s9 =	sand.u32 $0x1, s9;
	s10 =	sand.u32 $0x2, s10  }
0x12: {  	s10 =	sor.u32 s9, s10  }
0x13: {  	v0 =	vmov s10;
	v1 =	vshll.u32 v1, $0x7  }
0x14: {  	v2 =	vld [tilespmem:$0x10];
	v1 =	vor.u32 v0, v1;
	_ =	sdelay $0x4  }
0x15: {  	v2 =	vshll.u32 v2, $0x7;
	v1 =	vld.idx.msk [tilespmem:v1+s6+$0x0], $0xffff  }
0x16: {  	v3 =	vld [tilespmem:$0x20];
	v2 =	vor.u32 v0, v2;
	_ =	sdelay $0x3  }
0x17: {  	[tilespmem:$0x280] =	vst v1  }
0x18: {  	v1 =	vshll.u32 v3, $0x7;
	v2 =	vld.idx.msk [tilespmem:v2+s6+$0x0], $0xffff  }
0x19: {  	v3 =	vld [tilespmem:$0x30];
	v1 =	vor.u32 v0, v1;
	_ =	sdelay $0x3  }
0x1a: {  	[tilespmem:$0x290] =	vst v2  }
0x1b: {  	v2 =	vshll.u32 v3, $0x7;
	v1 =	vld.idx.msk [tilespmem:v1+s6+$0x0], $0xffff  }
0x1c: {  	v3 =	vld [tilespmem:$0x40];
	v2 =	vor.u32 v0, v2;
	_ =	sdelay $0x3  }
0x1d: {  	[tilespmem:$0x2A0] =	vst v1  }
0x1e: {  	v1 =	vshll.u32 v3, $0x7;
	v2 =	vld.idx.msk [tilespmem:v2+s6+$0x0], $0xffff  }
0x1f: {  	v3 =	vld [tilespmem:$0x50];
	v1 =	vor.u32 v0, v1;
	_ =	sdelay $0x3  }
0x20: {  	[tilespmem:$0x2B0] =	vst v2  }
0x21: {  	v2 =	vshll.u32 v3, $0x7;
	v1 =	vld.idx.msk [tilespmem:v1+s6+$0x0], $0xffff  }
0x22: {  	v3 =	vld [tilespmem:$0x60];
	v2 =	vor.u32 v0, v2;
	_ =	sdelay $0x3  }
0x23: {  	[tilespmem:$0x2C0] =	vst v1  }
0x24: {  	v1 =	vshll.u32 v3, $0x7;
	v2 =	vld.idx.msk [tilespmem:v2+s6+$0x0], $0xffff  }
0x25: {  	v3 =	vld [tilespmem:$0x70];
	v1 =	vor.u32 v0, v1;
	_ =	sdelay $0x3  }
0x26: {  	[tilespmem:$0x2D0] =	vst v2  }
0x27: {  	v2 =	vshll.u32 v3, $0x7;
	v1 =	vld.idx.msk [tilespmem:v1+s6+$0x0], $0xffff  }
0x28: {  	v2 =	vor.u32 v0, v2;
	_ =	sdelay $0x3  }
0x29: {  	s9 =	ssub.s32 $0x2, s9;
	[tilespmem:$0x2E0] =	vst v1  }
0x2a: {  	s11 =	sshrl.u32 s9, $0x1;
	v1 =	vld.idx.msk [tilespmem:v2+s6+$0x0], $0xffff  }
0x2b: {  	s9 =	ssub.s32 s9, s11  }
0x2c: {  	s9 =	smax.u32 s9, $0x1  }
0x2d: {  	s8 =	sshll.u32 s8, $0x6;
	p0 =	sne.s32 s9, $0x1  }
.Ltmp0:
0x2e: {  	s7 =	sadd.s32 s7, s8;
	s31 =	sshll.u32 s10, $0x4;
	(pc) =	sbr.rel @!p0 .LBB2_2-.Ltmp0, $4  }
0x2f: {  	s8 =	simm.s32 $0x280;
	s7 =	sadd.s32 s31, s7;
	[tilespmem:$0x2F0] =	vst v1  }
0x30: {  	[hbm4b:s7+s3] =	stream.linear.scatter [tilespmem:s8], [sflag:$0x1], $0x80, $0x38;
	[tilespmem:$0x300] =	vst v63  }
0x31: {  	_ =	swait.ge [sflag:s5], $0x80  }
0x32: {  	s9 =	sadd.s32 $0xFFFFFFFF, s9;
	[sflag:s5] =	ssyncset.done $0x0  }
.LBB2_1:
0x33: {  	p0 =	sne.s32 s9, $0x1;
	s9 =	sadd.s32 $0xFFFFFFFF, s9;
	[sflag:s5] =	ssyncadd.s32 $0xFFFFFF80  }
0x34: {  	[tilespmem:s3], [sflag:$0x1] =	stream.linear.gather [hbm4b:s4+s3], $0x80, $0x38;
	[tilespmem:$0x300] =	vst v63  }
0x35: {  	_ = 	snop  }
0x36: {  	[tilespmem:s6], [sflag:$0x1] =	stream.linear.gather [hbm4b:s2+s3], $0x200, $0x38;
	[tilespmem:$0x300] =	vst v63  }
0x37: {  	_ =	swait.ge [sflag:s5], $0x80  }
0x38: {  	[sflag:s5] =	ssyncset.done $0x0  }
0x39: {  	[sflag:s5] =	ssyncadd.s32 $0xFFFFFF80  }
0x3a: {  	_ =	swait.ge [sflag:s5], $0x200  }
0x3b: {  	[sflag:s5] =	ssyncset.done $0x0  }
0x3c: {  	[sflag:s5] =	ssyncadd.s32 $0xFFFFFE00  }
0x3d: {  	v1 =	vld [tilespmem:$0x0]  }
0x3e: {  	v2 =	vld [tilespmem:$0x10]  }
0x3f: {  	v3 =	vld [tilespmem:$0x20]  }
0x40: {  	v4 =	vld [tilespmem:$0x30]  }
0x41: {  	v5 =	vld [tilespmem:$0x40]  }
0x42: {  	v1 =	vshll.u32 v1, $0x7;
	v6 =	vld [tilespmem:$0x50]  }
0x43: {  	v1 =	vor.u32 v0, v1;
	v2 =	vshll.u32 v2, $0x7;
	v7 =	vld [tilespmem:$0x60]  }
0x44: {  	v3 =	vshll.u32 v3, $0x7;
	v8 =	vld [tilespmem:$0x70]  }
0x45: {  	v4 =	vshll.u32 v4, $0x7  }
0x46: {  	v5 =	vshll.u32 v5, $0x7  }
0x47: {  	v6 =	vshll.u32 v6, $0x7  }
0x48: {  	v1 =	vld.idx.msk [tilespmem:v1+s6+$0x0], $0xffff;
	v7 =	vshll.u32 v7, $0x7  }
0x49: {  	v8 =	vshll.u32 v8, $0x7  }
0x4a: {  	v2 =	vor.u32 v0, v2;
	_ =	sdelay $0x3  }
0x4b: {  	[tilespmem:$0x280] =	vst v1  }
0x4c: {  	v1 =	vld.idx.msk [tilespmem:v2+s6+$0x0], $0xffff;
	_ =	sdelay $0x1  }
0x4d: {  	v2 =	vor.u32 v0, v3;
	_ =	sdelay $0x3  }
0x4e: {  	[tilespmem:$0x290] =	vst v1  }
0x4f: {  	v1 =	vld.idx.msk [tilespmem:v2+s6+$0x0], $0xffff;
	_ =	sdelay $0x1  }
0x50: {  	v2 =	vor.u32 v0, v4;
	_ =	sdelay $0x3  }
0x51: {  	[tilespmem:$0x2A0] =	vst v1  }
0x52: {  	v1 =	vld.idx.msk [tilespmem:v2+s6+$0x0], $0xffff;
	_ =	sdelay $0x1  }
0x53: {  	v2 =	vor.u32 v0, v5;
	_ =	sdelay $0x3  }
0x54: {  	[tilespmem:$0x2B0] =	vst v1  }
0x55: {  	v1 =	vld.idx.msk [tilespmem:v2+s6+$0x0], $0xffff;
	_ =	sdelay $0x1  }
0x56: {  	v2 =	vor.u32 v0, v6;
	_ =	sdelay $0x3  }
0x57: {  	[tilespmem:$0x2C0] =	vst v1  }
0x58: {  	v1 =	vld.idx.msk [tilespmem:v2+s6+$0x0], $0xffff;
	_ =	sdelay $0x1  }
0x59: {  	v2 =	vor.u32 v0, v7;
	_ =	sdelay $0x3  }
0x5a: {  	[tilespmem:$0x2D0] =	vst v1  }
0x5b: {  	v1 =	vld.idx.msk [tilespmem:v2+s6+$0x0], $0xffff;
	_ =	sdelay $0x1  }
0x5c: {  	v2 =	vor.u32 v0, v8;
	_ =	sdelay $0x3  }
0x5d: {  	[tilespmem:$0x2E0] =	vst v1  }
0x5e: {  	v1 =	vld.idx.msk [tilespmem:v2+s6+$0x0], $0xffff;
	_ =	sdelay $0x4  }
.Ltmp1:
0x5f: {  	(pc) =	sbr.rel @p0 .LBB2_1-.Ltmp1, $4  }
0x60: {  	[tilespmem:$0x2F0] =	vst v1  }
0x61: {  	[hbm4b:s7+s3] =	stream.linear.scatter [tilespmem:s8], [sflag:$0x1], $0x80, $0x38;
	[tilespmem:$0x300] =	vst v63  }
0x62: {  	_ =	swait.ge [sflag:s5], $0x80  }
0x63: {  	[sflag:s5] =	ssyncset.done $0x0  }
.LBB2_2:
0x64: {  	[sflag:s5] =	ssyncadd.s32 $0xFFFFFF80  }
0x65: {  	_ =	sfence.sel $0x180000  }
0x66: {  	[bflag:$0x0] =	sbarrier.arrive $0xFFFF  }
0x67: {  	p0 =	sne.s32 s1, $0x0;
	_ =	strace $0x90000047  }
0x68: {  	s0 =	sadd.s32 @!p0 $0x100000, s0;
	[bflag:$0x2] =	sbarrier.arrive $0xFFFF  }
0x69: {  	[sflag:s0] =	ssyncadd.tile.s32 @!p0 $0x1;
	_ =	shalt  }
.Lfunc_end2:
_tile_overlayer_lowered:
.L_overlay_start_2:
0x6a: {  	(tag) =	ssettag $0x2  }
0x6b: {  	s0 =	rddreg [dreg:$0x0];
	s2 =	stileid.u32  }
0x6c: {  	s1 =	rddreg [dreg:$0x1];
	p0 =	sne.s32 s2, $0x0  }
0x6d: {  	s3 =	rddreg [dreg:$0x2];
	[bflag:$0x3] =	sbarrier.arrive $0xFFFF;
	s2 =	simm.s32 @!p0 $0x1C02  }
0x6e: {  	[timem:s3], [sflag:s2] =	dma.local @!p0 [hbm:s0], s1  }
0x6f: {  	s0 =	simm.s32 @!p0 $0x2  }
0x70: {  	_ =	swait.ge @!p0 [sflag:s0], s1  }
0x71: {  	s1 =	ssub.s32 @!p0 $0x0, s1;
	[sflag:s0] =	ssyncset.done @!p0 $0x0  }
0x72: {  	[sflag:s0] =	ssyncadd.s32 @!p0 s1  }
0x73: {  	[bflag:$0x3] =	sbarrier.arrive $0xFFFF  }
0x74: {  	_ =	shalt  }

</sc_bundles>
